<compile_context>
chip_gen: v7x
topology: tpu7x:2x2x1
jax: 0.10.2.dev20260603
libtpu: 0.0.44.dev20260713+nightly
codegen_flags: <defaults>
</compile_context>

<pallas_src>
import functools

import jax
import jax.numpy as jnp
from jax import lax
from jax.experimental import pallas as pl
from jax.experimental.pallas import tpu as pltpu
from jax.experimental.pallas import tpu_sc as plsc

B, V, D, P = 1024, 100000, 16, 20
_NROWS = V - 1

_NC, _NS = 2, 16
_NW = _NC * _NS
_BP = B * P
_NE = D * _BP
_EW = _NE // _NW


def _sc_gather(table1d, eidx):
    mesh = plsc.VectorSubcoreMesh(core_axis_name="c", subcore_axis_name="s")

    @functools.partial(
        pl.kernel,
        out_type=jax.ShapeDtypeStruct((_NE,), jnp.float32),
        mesh=mesh,
        scratch_types=[
            pltpu.VMEM((_EW,), jnp.int32),
            pltpu.VMEM((_EW,), jnp.float32),
            pltpu.SemaphoreType.DMA,
        ],
        compiler_params=pltpu.CompilerParams(use_tc_tiling_on_sc=False),
    )
    def k(tab_hbm, eidx_hbm, out_hbm, idx_v, vals_v, sem):
        wid = lax.axis_index("s") * _NC + lax.axis_index("c")
        base = wid * _EW
        pltpu.sync_copy(eidx_hbm.at[pl.ds(base, _EW)], idx_v)
        pltpu.async_copy(tab_hbm.at[idx_v], vals_v, sem).wait()
        pltpu.sync_copy(vals_v, out_hbm.at[pl.ds(base, _EW)])

    return k(table1d, eidx)


_VT = 4096
_NBLK = (V + _VT - 1) // _VT
_VLAST = V - (_NBLK - 1) * _VT


def _mm_body(ivt_ref, w_ref, out_ref):
    i = pl.program_id(0)

    @pl.when(i == 0)
    def _init():
        out_ref[...] = jnp.zeros_like(out_ref)

    def contrib(wb, ab):
        return lax.dot_general(wb, ab, (((1,), (0,)), ((), ())),
                               preferred_element_type=jnp.float32)

    @pl.when(i < _NBLK - 1)
    def _full():
        out_ref[...] += contrib(w_ref[...].astype(jnp.bfloat16),
                                ivt_ref[...].astype(jnp.bfloat16))

    @pl.when(i == _NBLK - 1)
    def _last():
        mv = lax.broadcasted_iota(jnp.int32, (_VT, 1), 0) < _VLAST
        ab = jnp.where(mv, ivt_ref[...], 0.0)
        mw = lax.broadcasted_iota(jnp.int32, (1, _VT), 1) < _VLAST
        wb = jnp.where(mw, w_ref[...], 0.0)
        out_ref[...] += contrib(wb.astype(jnp.bfloat16),
                                ab.astype(jnp.bfloat16))


def _tc_matmul(ivt, W):
    return pl.pallas_call(
        _mm_body,
        grid=(_NBLK,),
        in_specs=[
            pl.BlockSpec((_VT, B), lambda i: (i, 0)),
            pl.BlockSpec((D, _VT), lambda i: (0, i)),
        ],
        out_specs=pl.BlockSpec((D, B), lambda i: (0, 0)),
        out_shape=jax.ShapeDtypeStruct((D, B), jnp.float32),
        compiler_params=pltpu.CompilerParams(
            dimension_semantics=("arbitrary",),
            vmem_limit_bytes=100 * 1024 * 1024,
        ),
    )(ivt, W)


def _ep_body(xt_ref, pvt_ref, hct_ref, out_ref):
    xt = xt_ref[...]
    logits = jnp.zeros((P, B), jnp.float32)
    for d in range(D):
        logits = logits + pvt_ref[d] * xt[d:d + 1, :]
    t = hct_ref[...].astype(jnp.float32)
    bce = (jnp.maximum(logits, 0.0) - logits * t
           + jnp.log1p(jnp.exp(-jnp.abs(logits))))
    out_ref[0, 0] = jnp.sum(bce) * (1.0 / (B * P))


def _tc_epilogue(xt, pvt, hct):
    return pl.pallas_call(
        _ep_body,
        out_specs=pl.BlockSpec(memory_space=pltpu.SMEM),
        out_shape=jax.ShapeDtypeStruct((1, 1), jnp.float32),
    )(xt, pvt, hct)


def kernel(inputs_vector, path_nodes_indices, huffman_codes, W, cls):
    idx = path_nodes_indices.astype(jnp.int32).T.reshape(_BP)
    eidx = (jnp.arange(D, dtype=jnp.int32)[:, None] * _NROWS
            + idx[None, :]).reshape(_NE)
    table1d = cls.T.reshape(_NROWS * D)
    vals = _sc_gather(table1d, eidx)
    pvt = vals.reshape(D, P, B)
    ivt = inputs_vector.T
    hct = huffman_codes.astype(jnp.int32).T
    xt = _tc_matmul(ivt, W)
    loss = _tc_epilogue(xt, pvt, hct)
    return loss.reshape(1)

# --- scband reference (transcript-rebuilt; emitter-appended) ---
"""Pipeline reference for scband-word2-vector-model-hierarchical-softmax-84756884620030 (READ-ONLY COPY).

The authoritative reference and input builder live on the scoring server;
editing this copy changes nothing except your own understanding.
"""

import jax, jax.numpy as jnp
import numpy as np

B, V, D, P = 1024, 100000, 16, 20
N_NODES = V - 1

def _bce_with_logits(logits, targets):
    # numerically stable BCEWithLogits, elementwise
    return jnp.maximum(logits, 0.0) - logits * targets + jnp.log1p(jnp.exp(-jnp.abs(logits)))

def setup_inputs(seed: int = 0) -> dict:
    key = jax.random.key(seed)
    k1, k2, k3, k4, k5 = jax.random.split(key, 5)
    inputs_vector = jax.random.uniform(k1, (B, V), dtype=jnp.float32)
    path_nodes_indices = jax.random.randint(k2, (B, P), 0, N_NODES)
    huffman_codes = jax.random.randint(k3, (B, P), 0, 2)
    # nn.Linear(words_num, embedding_dim, bias=False) weight: [out, in] = [D, V]
    W = jax.random.normal(k4, (D, V), dtype=jnp.float32) * 0.02
    cls = jax.random.normal(k5, (N_NODES, D), dtype=jnp.float32)
    return {"inputs_vector": inputs_vector, "path_nodes_indices": path_nodes_indices, "huffman_codes": huffman_codes, "W": W, "cls": cls}

def reference(inputs_vector, path_nodes_indices, huffman_codes, W, cls):
    # x = self.embedding(inputs_vector) : [B, D]
    x = inputs_vector @ W.T
    # per-sample: path_vector = cls[path_nodes_indices[i]] ; logits = x[i] @ path_vector.T
    # vectorized over the batch (identical math to the python loop)
    path_vecs = jnp.take(cls, path_nodes_indices, axis=0)  # [B, P, D]
    logits = jnp.einsum('bd,bpd->bp', x, path_vecs)        # [B, P]
    targets = huffman_codes.astype(jnp.float32)
    per_sample = jnp.mean(_bce_with_logits(logits, targets), axis=1)  # BCE mean reduction per sample
    loss = jnp.mean(per_sample)  # sum over batch then / batch_size
    return loss.reshape(1)

if __name__ == "__main__":
    import jax
    _d = setup_inputs()
    print(jax.jit(kernel)(*tuple(_d.values())))

</pallas_src>

<mosaic_0001>
#map = affine_map<(d0, d1) -> (0)>
module attributes {stable_mosaic.version = 14 : i64} {
  func.func @k(%arg0: i32, %arg1: i32, %arg2: memref<1599984xf32, #tpu.memory_space<hbm>>, %arg3: memref<327680xi32, #tpu.memory_space<hbm>>, %arg4: memref<327680xf32, #tpu.memory_space<hbm>>, %arg5: memref<10240xi32, #tpu.memory_space<vmem>>, %arg6: memref<10240xf32, #tpu.memory_space<vmem>>, %arg7: memref<!tpu.dma_semaphore, #tpu.memory_space<semaphore_mem>>) attributes {dimension_semantics = [#tpu.dimension_semantics<core_parallel>, #tpu.dimension_semantics<subcore_parallel>], iteration_bounds = array<i64: 2, 16>, scalar_prefetch = 0 : i64, scratch_operands = 3 : i64, tpu.core_type = #tpu.core_type<sc_vector_subcore>, window_params = [{transform_indices = #map}, {transform_indices = #map}, {transform_indices = #map}]} {
    %mul3A = arith.constant 2 : i32
    %mul3A_0 = arith.muli %arg1, %mul3A : i32
    %add3A = arith.addi %mul3A_0, %arg0 : i32
    %mul3A_1 = arith.constant 10240 : i32
    %mul3A_2 = arith.muli %add3A, %mul3A_1 : i32
    "tpu.region"() ({
      %run_scoped3A = tpu.sem_alloc : memref<!tpu.dma_semaphore, #tpu.memory_space<semaphore_mem>>
      %dma_start3A_5 = tpu.memref_slice %arg3[%mul3A_2] : memref<327680xi32, #tpu.memory_space<hbm>> -> memref<10240xi32, #tpu.memory_space<hbm>>
      %dma_start3A_6 = tpu.memref_slice %arg3[%mul3A_2] : memref<327680xi32, #tpu.memory_space<hbm>> -> memref<10240xi32, #tpu.memory_space<hbm>>
      tpu.enqueue_dma source(%dma_start3A_6 : memref<10240xi32, #tpu.memory_space<hbm>>) target(%arg5 : memref<10240xi32, #tpu.memory_space<vmem>>) target_semaphore(%run_scoped3A : memref<!tpu.dma_semaphore, #tpu.memory_space<semaphore_mem>>)
      %dma_wait3A_7 = tpu.memref_slice %arg3[%mul3A_2] : memref<327680xi32, #tpu.memory_space<hbm>> -> memref<10240xi32, #tpu.memory_space<hbm>>
      %dma_wait3A_8 = tpu.memref_slice %arg3[%mul3A_2] : memref<327680xi32, #tpu.memory_space<hbm>> -> memref<10240xi32, #tpu.memory_space<hbm>>
      tpu.wait_dma2 semaphore(%run_scoped3A : memref<!tpu.dma_semaphore, #tpu.memory_space<semaphore_mem>>) src(%dma_wait3A_8 : memref<10240xi32, #tpu.memory_space<hbm>>) dst(%arg5 : memref<10240xi32, #tpu.memory_space<vmem>>)
      tpu.yield
    }) : () -> ()
    %dma_start3A = arith.constant 0 : i32
    %dma_start3A_3 = tpu.memref_slice %arg2[%dma_start3A] : memref<1599984xf32, #tpu.memory_space<hbm>> -> memref<1599984xf32, #tpu.memory_space<hbm>>
    tpu.enqueue_indirect_dma source(%dma_start3A_3 : memref<1599984xf32, #tpu.memory_space<hbm>>) target(%arg6 : memref<10240xf32, #tpu.memory_space<vmem>>) offsets(%arg5 : memref<10240xi32, #tpu.memory_space<vmem>>) semaphore(%arg7 : memref<!tpu.dma_semaphore, #tpu.memory_space<semaphore_mem>>)
    %dma_wait3A = arith.constant 0 : i32
    %dma_wait3A_4 = tpu.memref_slice %arg2[%dma_wait3A] : memref<1599984xf32, #tpu.memory_space<hbm>> -> memref<1599984xf32, #tpu.memory_space<hbm>>
    tpu.wait_indirect_dma semaphore(%arg7 : memref<!tpu.dma_semaphore, #tpu.memory_space<semaphore_mem>>) src(%dma_wait3A_4 : memref<1599984xf32, #tpu.memory_space<hbm>>) dst(%arg6 : memref<10240xf32, #tpu.memory_space<vmem>>)
    "tpu.region"() ({
      %run_scoped3A = tpu.sem_alloc : memref<!tpu.dma_semaphore, #tpu.memory_space<semaphore_mem>>
      %dma_start3A_5 = tpu.memref_slice %arg4[%mul3A_2] : memref<327680xf32, #tpu.memory_space<hbm>> -> memref<10240xf32, #tpu.memory_space<hbm>>
      %dma_start3A_6 = tpu.memref_slice %arg4[%mul3A_2] : memref<327680xf32, #tpu.memory_space<hbm>> -> memref<10240xf32, #tpu.memory_space<hbm>>
      tpu.enqueue_dma source(%arg6 : memref<10240xf32, #tpu.memory_space<vmem>>) target(%dma_start3A_6 : memref<10240xf32, #tpu.memory_space<hbm>>) target_semaphore(%run_scoped3A : memref<!tpu.dma_semaphore, #tpu.memory_space<semaphore_mem>>)
      %dma_wait3A_7 = tpu.memref_slice %arg4[%mul3A_2] : memref<327680xf32, #tpu.memory_space<hbm>> -> memref<10240xf32, #tpu.memory_space<hbm>>
      %dma_wait3A_8 = tpu.memref_slice %arg4[%mul3A_2] : memref<327680xf32, #tpu.memory_space<hbm>> -> memref<10240xf32, #tpu.memory_space<hbm>>
      tpu.wait_dma2 semaphore(%run_scoped3A : memref<!tpu.dma_semaphore, #tpu.memory_space<semaphore_mem>>) src(%arg6 : memref<10240xf32, #tpu.memory_space<vmem>>) dst(%dma_wait3A_8 : memref<10240xf32, #tpu.memory_space<hbm>>)
      tpu.yield
    }) : () -> ()
    return
  }
}

module attributes {stable_mosaic.version = 14 : i64} {
  func.func @_mm_body(%arg0: i32, %arg1: memref<4096x1024xf32, #tpu.memory_space<vmem>>, %arg2: memref<16x4096xf32, #tpu.memory_space<vmem>>, %arg3: memref<16x1024xf32, #tpu.memory_space<vmem>>) attributes {dimension_semantics = [#tpu.dimension_semantics<arbitrary>], iteration_bounds = array<i64: 25>, scalar_prefetch = 0 : i64, scratch_operands = 0 : i64, tpu.core_type = #tpu.core_type<tc>, window_params = [{transform_indices = @transform_0, window_bounds = array<i64: 4096, 1024>}, {transform_indices = @transform_1, window_bounds = array<i64: 16, 4096>}, {pipeline_mode = #tpu.pipeline_mode<synchronous>, transform_indices = @transform_2, window_bounds = array<i64: 16, 1024>}]} {
    %eq3A = arith.constant 0 : i32
    %eq3A_0 = arith.cmpi eq, %arg0, %eq3A : i32
    %convert_element_type3A = arith.extui %eq3A_0 : i1 to i32
    %cond3A = arith.constant 0 : i32
    %cond3A_1 = arith.cmpi ne, %convert_element_type3A, %cond3A : i32
    scf.if %cond3A_1 {
      %broadcast_in_dim3A = arith.constant 0.000000e+00 : f32
      %broadcast_in_dim3A_11 = vector.broadcast %broadcast_in_dim3A : f32 to vector<16x1024xf32>
      %swap3A = arith.constant 0 : index
      %swap3A_12 = arith.constant 0 : index
      %swap3A_13 = vector.load %arg3[%swap3A, %swap3A_12] : memref<16x1024xf32, #tpu.memory_space<vmem>>, vector<16x1024xf32>
      tpu.vector_store %arg3[%swap3A, %swap3A_12], %broadcast_in_dim3A_11 {strides = array<i32>} : memref<16x1024xf32, #tpu.memory_space<vmem>>, vector<16x1024xf32>,
    } else {
    }
    %lt3A = arith.constant 24 : i32
    %lt3A_2 = arith.cmpi slt, %arg0, %lt3A : i32
    %convert_element_type3A_3 = arith.extui %lt3A_2 : i1 to i32
    %cond3A_4 = arith.constant 0 : i32
    %cond3A_5 = arith.cmpi ne, %convert_element_type3A_3, %cond3A_4 : i32
    scf.if %cond3A_5 {
      %get3A = arith.constant 0 : index
      %get3A_11 = arith.constant 0 : index
      %get3A_12 = vector.load %arg3[%get3A, %get3A_11] : memref<16x1024xf32, #tpu.memory_space<vmem>>, vector<16x1024xf32>
      %get3A_13 = arith.constant 0 : index
      %get3A_14 = arith.constant 0 : index
      %get3A_15 = vector.load %arg2[%get3A_13, %get3A_14] : memref<16x4096xf32, #tpu.memory_space<vmem>>, vector<16x4096xf32>
      %convert_element_type3A_16 = arith.truncf %get3A_15 : vector<16x4096xf32> to vector<16x4096xbf16>
      %get3A_17 = arith.constant 0 : index
      %get3A_18 = arith.constant 0 : index
      %get3A_19 = vector.load %arg1[%get3A_17, %get3A_18] : memref<4096x1024xf32, #tpu.memory_space<vmem>>, vector<4096x1024xf32>
      %convert_element_type3A_20 = arith.truncf %get3A_19 : vector<4096x1024xf32> to vector<4096x1024xbf16>
      %dot_general3A = arith.constant dense<0.000000e+00> : vector<16x1024xf32>
      %dot_general3A_21 = tpu.matmul %convert_element_type3A_16, %convert_element_type3A_20, %dot_general3A {dimension_numbers = #tpu.dot_dimension_numbers<[1], [0], [0], [1], [0, 0, 1, 1], [], []>, transpose_lhs_hint = false} : vector<16x4096xbf16>, vector<4096x1024xbf16>, vector<16x1024xf32> -> vector<16x1024xf32>
      %add3A = arith.addf %get3A_12, %dot_general3A_21 : vector<16x1024xf32>
      %swap3A = arith.constant 0 : index
      %swap3A_22 = arith.constant 0 : index
      %swap3A_23 = vector.load %arg3[%swap3A, %swap3A_22] : memref<16x1024xf32, #tpu.memory_space<vmem>>, vector<16x1024xf32>
      tpu.vector_store %arg3[%swap3A, %swap3A_22], %add3A {strides = array<i32>} : memref<16x1024xf32, #tpu.memory_space<vmem>>, vector<16x1024xf32>,
    } else {
    }
    %eq3A_6 = arith.constant 24 : i32
    %eq3A_7 = arith.cmpi eq, %arg0, %eq3A_6 : i32
    %convert_element_type3A_8 = arith.extui %eq3A_7 : i1 to i32
    %cond3A_9 = arith.constant 0 : i32
    %cond3A_10 = arith.cmpi ne, %convert_element_type3A_8, %cond3A_9 : i32
    scf.if %cond3A_10 {
      %iota3A = tpu.iota {dimensions = array<i32: 0>} : vector<4096x1xi32>
      %lt3A_11 = arith.constant 1696 : i32
      %lt3A_12 = vector.broadcast %lt3A_11 : i32 to vector<4096x1xi32>
      %lt3A_13 = arith.cmpi slt, %iota3A, %lt3A_12 : vector<4096x1xi32>
      %get3A = arith.constant 0 : index
      %get3A_14 = arith.constant 0 : index
      %get3A_15 = vector.load %arg1[%get3A, %get3A_14] : memref<4096x1024xf32, #tpu.memory_space<vmem>>, vector<4096x1024xf32>
      %jit3A = arith.constant 0.000000e+00 : f32
      %broadcast_in_dim3A = vector.shape_cast %lt3A_13 : vector<4096x1xi1> to vector<4096x1xi1>
      %broadcast_in_dim3A_16 = vector.broadcast %broadcast_in_dim3A : vector<4096x1xi1> to vector<4096x1024xi1>
      %broadcast_in_dim3A_17 = vector.broadcast %jit3A : f32 to vector<4096x1024xf32>
      %select_n3A = arith.select %broadcast_in_dim3A_16, %get3A_15, %broadcast_in_dim3A_17 : vector<4096x1024xi1>, vector<4096x1024xf32>
      %iota3A_18 = tpu.iota {dimensions = array<i32: 1>} : vector<1x4096xi32>
      %lt3A_19 = arith.constant 1696 : i32
      %lt3A_20 = vector.broadcast %lt3A_19 : i32 to vector<1x4096xi32>
      %lt3A_21 = arith.cmpi slt, %iota3A_18, %lt3A_20 : vector<1x4096xi32>
      %get3A_22 = arith.constant 0 : index
      %get3A_23 = arith.constant 0 : index
      %get3A_24 = vector.load %arg2[%get3A_22, %get3A_23] : memref<16x4096xf32, #tpu.memory_space<vmem>>, vector<16x4096xf32>
      %jit3A_25 = arith.constant 0.000000e+00 : f32
      %broadcast_in_dim3A_26 = vector.shape_cast %lt3A_21 : vector<1x4096xi1> to vector<1x4096xi1>
      %broadcast_in_dim3A_27 = vector.broadcast %broadcast_in_dim3A_26 : vector<1x4096xi1> to vector<16x4096xi1>
      %broadcast_in_dim3A_28 = vector.broadcast %jit3A_25 : f32 to vector<16x4096xf32>
      %select_n3A_29 = arith.select %broadcast_in_dim3A_27, %get3A_24, %broadcast_in_dim3A_28 : vector<16x4096xi1>, vector<16x4096xf32>
      %get3A_30 = arith.constant 0 : index
      %get3A_31 = arith.constant 0 : index
      %get3A_32 = vector.load %arg3[%get3A_30, %get3A_31] : memref<16x1024xf32, #tpu.memory_space<vmem>>, vector<16x1024xf32>
      %convert_element_type3A_33 = arith.truncf %select_n3A_29 : vector<16x4096xf32> to vector<16x4096xbf16>
      %convert_element_type3A_34 = arith.truncf %select_n3A : vector<4096x1024xf32> to vector<4096x1024xbf16>
      %dot_general3A = arith.constant dense<0.000000e+00> : vector<16x1024xf32>
      %dot_general3A_35 = tpu.matmul %convert_element_type3A_33, %convert_element_type3A_34, %dot_general3A {dimension_numbers = #tpu.dot_dimension_numbers<[1], [0], [0], [1], [0, 0, 1, 1], [], []>, transpose_lhs_hint = false} : vector<16x4096xbf16>, vector<4096x1024xbf16>, vector<16x1024xf32> -> vector<16x1024xf32>
      %add3A = arith.addf %get3A_32, %dot_general3A_35 : vector<16x1024xf32>
      %swap3A = arith.constant 0 : index
      %swap3A_36 = arith.constant 0 : index
      %swap3A_37 = vector.load %arg3[%swap3A, %swap3A_36] : memref<16x1024xf32, #tpu.memory_space<vmem>>, vector<16x1024xf32>
      tpu.vector_store %arg3[%swap3A, %swap3A_36], %add3A {strides = array<i32>} : memref<16x1024xf32, #tpu.memory_space<vmem>>, vector<16x1024xf32>,
    } else {
    }
    return
  }
  func.func @transform_0(%arg0: i32) -> (i32, i32) {
    %c0_i32 = arith.constant 0 : i32
    %c0_i32_0 = arith.constant 0 : i32
    return %arg0, %c0_i32 : i32, i32
  }
  func.func @transform_1(%arg0: i32) -> (i32, i32) {
    %c0_i32 = arith.constant 0 : i32
    %c0_i32_0 = arith.constant 0 : i32
    return %c0_i32, %arg0 : i32, i32
  }
  func.func @transform_2(%arg0: i32) -> (i32, i32) {
    %c0_i32 = arith.constant 0 : i32
    %c0_i32_0 = arith.constant 0 : i32
    %c0_i32_1 = arith.constant 0 : i32
    return %c0_i32, %c0_i32_0 : i32, i32
  }
}

module attributes {stable_mosaic.version = 14 : i64} {
  func.func @_ep_body(%arg0: memref<16x1024xf32, #tpu.memory_space<vmem>>, %arg1: memref<16x20x1024xf32, #tpu.memory_space<vmem>>, %arg2: memref<20x1024xi32, #tpu.memory_space<vmem>>, %arg3: memref<1x1xf32, #tpu.memory_space<smem>>) attributes {dimension_semantics = [], scalar_prefetch = 0 : i64, scratch_operands = 0 : i64, tpu.core_type = #tpu.core_type<tc>} {
    %get3A = arith.constant 0 : index
    %get3A_0 = arith.constant 0 : index
    %get3A_1 = vector.load %arg0[%get3A, %get3A_0] : memref<16x1024xf32, #tpu.memory_space<vmem>>, vector<16x1024xf32>
    %broadcast_in_dim3A = arith.constant 0.000000e+00 : f32
    %broadcast_in_dim3A_2 = vector.broadcast %broadcast_in_dim3A : f32 to vector<20x1024xf32>
    %get3A_3 = arith.constant 0 : index
    %get3A_4 = arith.constant 0 : index
    %get3A_5 = arith.constant 0 : index
    %get3A_6 = vector.load %arg1[%get3A_3, %get3A_4, %get3A_5] : memref<16x20x1024xf32, #tpu.memory_space<vmem>>, vector<1x20x1024xf32>
    %get3A_7 = vector.shape_cast %get3A_6 : vector<1x20x1024xf32> to vector<20x1024xf32>
    %slice3A = vector.extract_strided_slice %get3A_1 {offsets = [0, 0], sizes = [1, 1024], strides = [1, 1]} : vector<16x1024xf32> to vector<1x1024xf32>
    %mul3A = vector.broadcast %slice3A : vector<1x1024xf32> to vector<20x1024xf32>
    %mul3A_8 = arith.mulf %get3A_7, %mul3A : vector<20x1024xf32>
    %add3A = arith.addf %broadcast_in_dim3A_2, %mul3A_8 : vector<20x1024xf32>
    %get3A_9 = arith.constant 1 : index
    %get3A_10 = arith.constant 0 : index
    %get3A_11 = arith.constant 0 : index
    %get3A_12 = vector.load %arg1[%get3A_9, %get3A_10, %get3A_11] : memref<16x20x1024xf32, #tpu.memory_space<vmem>>, vector<1x20x1024xf32>
    %get3A_13 = vector.shape_cast %get3A_12 : vector<1x20x1024xf32> to vector<20x1024xf32>
    %slice3A_14 = vector.extract_strided_slice %get3A_1 {offsets = [1, 0], sizes = [1, 1024], strides = [1, 1]} : vector<16x1024xf32> to vector<1x1024xf32>
    %mul3A_15 = vector.broadcast %slice3A_14 : vector<1x1024xf32> to vector<20x1024xf32>
    %mul3A_16 = arith.mulf %get3A_13, %mul3A_15 : vector<20x1024xf32>
    %add3A_17 = arith.addf %add3A, %mul3A_16 : vector<20x1024xf32>
    %get3A_18 = arith.constant 2 : index
    %get3A_19 = arith.constant 0 : index
    %get3A_20 = arith.constant 0 : index
    %get3A_21 = vector.load %arg1[%get3A_18, %get3A_19, %get3A_20] : memref<16x20x1024xf32, #tpu.memory_space<vmem>>, vector<1x20x1024xf32>
    %get3A_22 = vector.shape_cast %get3A_21 : vector<1x20x1024xf32> to vector<20x1024xf32>
    %slice3A_23 = vector.extract_strided_slice %get3A_1 {offsets = [2, 0], sizes = [1, 1024], strides = [1, 1]} : vector<16x1024xf32> to vector<1x1024xf32>
    %mul3A_24 = vector.broadcast %slice3A_23 : vector<1x1024xf32> to vector<20x1024xf32>
    %mul3A_25 = arith.mulf %get3A_22, %mul3A_24 : vector<20x1024xf32>
    %add3A_26 = arith.addf %add3A_17, %mul3A_25 : vector<20x1024xf32>
    %get3A_27 = arith.constant 3 : index
    %get3A_28 = arith.constant 0 : index
    %get3A_29 = arith.constant 0 : index
    %get3A_30 = vector.load %arg1[%get3A_27, %get3A_28, %get3A_29] : memref<16x20x1024xf32, #tpu.memory_space<vmem>>, vector<1x20x1024xf32>
    %get3A_31 = vector.shape_cast %get3A_30 : vector<1x20x1024xf32> to vector<20x1024xf32>
    %slice3A_32 = vector.extract_strided_slice %get3A_1 {offsets = [3, 0], sizes = [1, 1024], strides = [1, 1]} : vector<16x1024xf32> to vector<1x1024xf32>
    %mul3A_33 = vector.broadcast %slice3A_32 : vector<1x1024xf32> to vector<20x1024xf32>
    %mul3A_34 = arith.mulf %get3A_31, %mul3A_33 : vector<20x1024xf32>
    %add3A_35 = arith.addf %add3A_26, %mul3A_34 : vector<20x1024xf32>
    %get3A_36 = arith.constant 4 : index
    %get3A_37 = arith.constant 0 : index
    %get3A_38 = arith.constant 0 : index
    %get3A_39 = vector.load %arg1[%get3A_36, %get3A_37, %get3A_38] : memref<16x20x1024xf32, #tpu.memory_space<vmem>>, vector<1x20x1024xf32>
    %get3A_40 = vector.shape_cast %get3A_39 : vector<1x20x1024xf32> to vector<20x1024xf32>
    %slice3A_41 = vector.extract_strided_slice %get3A_1 {offsets = [4, 0], sizes = [1, 1024], strides = [1, 1]} : vector<16x1024xf32> to vector<1x1024xf32>
    %mul3A_42 = vector.broadcast %slice3A_41 : vector<1x1024xf32> to vector<20x1024xf32>
    %mul3A_43 = arith.mulf %get3A_40, %mul3A_42 : vector<20x1024xf32>
    %add3A_44 = arith.addf %add3A_35, %mul3A_43 : vector<20x1024xf32>
    %get3A_45 = arith.constant 5 : index
    %get3A_46 = arith.constant 0 : index
    %get3A_47 = arith.constant 0 : index
    %get3A_48 = vector.load %arg1[%get3A_45, %get3A_46, %get3A_47] : memref<16x20x1024xf32, #tpu.memory_space<vmem>>, vector<1x20x1024xf32>
    %get3A_49 = vector.shape_cast %get3A_48 : vector<1x20x1024xf32> to vector<20x1024xf32>
    %slice3A_50 = vector.extract_strided_slice %get3A_1 {offsets = [5, 0], sizes = [1, 1024], strides = [1, 1]} : vector<16x1024xf32> to vector<1x1024xf32>
    %mul3A_51 = vector.broadcast %slice3A_50 : vector<1x1024xf32> to vector<20x1024xf32>
    %mul3A_52 = arith.mulf %get3A_49, %mul3A_51 : vector<20x1024xf32>
    %add3A_53 = arith.addf %add3A_44, %mul3A_52 : vector<20x1024xf32>
    %get3A_54 = arith.constant 6 : index
    %get3A_55 = arith.constant 0 : index
    %get3A_56 = arith.constant 0 : index
    %get3A_57 = vector.load %arg1[%get3A_54, %get3A_55, %get3A_56] : memref<16x20x1024xf32, #tpu.memory_space<vmem>>, vector<1x20x1024xf32>
    %get3A_58 = vector.shape_cast %get3A_57 : vector<1x20x1024xf32> to vector<20x1024xf32>
    %slice3A_59 = vector.extract_strided_slice %get3A_1 {offsets = [6, 0], sizes = [1, 1024], strides = [1, 1]} : vector<16x1024xf32> to vector<1x1024xf32>
    %mul3A_60 = vector.broadcast %slice3A_59 : vector<1x1024xf32> to vector<20x1024xf32>
    %mul3A_61 = arith.mulf %get3A_58, %mul3A_60 : vector<20x1024xf32>
    %add3A_62 = arith.addf %add3A_53, %mul3A_61 : vector<20x1024xf32>
    %get3A_63 = arith.constant 7 : index
    %get3A_64 = arith.constant 0 : index
    %get3A_65 = arith.constant 0 : index
    %get3A_66 = vector.load %arg1[%get3A_63, %get3A_64, %get3A_65] : memref<16x20x1024xf32, #tpu.memory_space<vmem>>, vector<1x20x1024xf32>
    %get3A_67 = vector.shape_cast %get3A_66 : vector<1x20x1024xf32> to vector<20x1024xf32>
    %slice3A_68 = vector.extract_strided_slice %get3A_1 {offsets = [7, 0], sizes = [1, 1024], strides = [1, 1]} : vector<16x1024xf32> to vector<1x1024xf32>
    %mul3A_69 = vector.broadcast %slice3A_68 : vector<1x1024xf32> to vector<20x1024xf32>
    %mul3A_70 = arith.mulf %get3A_67, %mul3A_69 : vector<20x1024xf32>
    %add3A_71 = arith.addf %add3A_62, %mul3A_70 : vector<20x1024xf32>
    %get3A_72 = arith.constant 8 : index
    %get3A_73 = arith.constant 0 : index
    %get3A_74 = arith.constant 0 : index
    %get3A_75 = vector.load %arg1[%get3A_72, %get3A_73, %get3A_74] : memref<16x20x1024xf32, #tpu.memory_space<vmem>>, vector<1x20x1024xf32>
    %get3A_76 = vector.shape_cast %get3A_75 : vector<1x20x1024xf32> to vector<20x1024xf32>
    %slice3A_77 = vector.extract_strided_slice %get3A_1 {offsets = [8, 0], sizes = [1, 1024], strides = [1, 1]} : vector<16x1024xf32> to vector<1x1024xf32>
    %mul3A_78 = vector.broadcast %slice3A_77 : vector<1x1024xf32> to vector<20x1024xf32>
    %mul3A_79 = arith.mulf %get3A_76, %mul3A_78 : vector<20x1024xf32>
    %add3A_80 = arith.addf %add3A_71, %mul3A_79 : vector<20x1024xf32>
    %get3A_81 = arith.constant 9 : index
    %get3A_82 = arith.constant 0 : index
    %get3A_83 = arith.constant 0 : index
    %get3A_84 = vector.load %arg1[%get3A_81, %get3A_82, %get3A_83] : memref<16x20x1024xf32, #tpu.memory_space<vmem>>, vector<1x20x1024xf32>
    %get3A_85 = vector.shape_cast %get3A_84 : vector<1x20x1024xf32> to vector<20x1024xf32>
    %slice3A_86 = vector.extract_strided_slice %get3A_1 {offsets = [9, 0], sizes = [1, 1024], strides = [1, 1]} : vector<16x1024xf32> to vector<1x1024xf32>
    %mul3A_87 = vector.broadcast %slice3A_86 : vector<1x1024xf32> to vector<20x1024xf32>
    %mul3A_88 = arith.mulf %get3A_85, %mul3A_87 : vector<20x1024xf32>
    %add3A_89 = arith.addf %add3A_80, %mul3A_88 : vector<20x1024xf32>
    %get3A_90 = arith.constant 10 : index
    %get3A_91 = arith.constant 0 : index
    %get3A_92 = arith.constant 0 : index
    %get3A_93 = vector.load %arg1[%get3A_90, %get3A_91, %get3A_92] : memref<16x20x1024xf32, #tpu.memory_space<vmem>>, vector<1x20x1024xf32>
    %get3A_94 = vector.shape_cast %get3A_93 : vector<1x20x1024xf32> to vector<20x1024xf32>
    %slice3A_95 = vector.extract_strided_slice %get3A_1 {offsets = [10, 0], sizes = [1, 1024], strides = [1, 1]} : vector<16x1024xf32> to vector<1x1024xf32>
    %mul3A_96 = vector.broadcast %slice3A_95 : vector<1x1024xf32> to vector<20x1024xf32>
    %mul3A_97 = arith.mulf %get3A_94, %mul3A_96 : vector<20x1024xf32>
    %add3A_98 = arith.addf %add3A_89, %mul3A_97 : vector<20x1024xf32>
    %get3A_99 = arith.constant 11 : index
    %get3A_100 = arith.constant 0 : index
    %get3A_101 = arith.constant 0 : index
    %get3A_102 = vector.load %arg1[%get3A_99, %get3A_100, %get3A_101] : memref<16x20x1024xf32, #tpu.memory_space<vmem>>, vector<1x20x1024xf32>
    %get3A_103 = vector.shape_cast %get3A_102 : vector<1x20x1024xf32> to vector<20x1024xf32>
    %slice3A_104 = vector.extract_strided_slice %get3A_1 {offsets = [11, 0], sizes = [1, 1024], strides = [1, 1]} : vector<16x1024xf32> to vector<1x1024xf32>
    %mul3A_105 = vector.broadcast %slice3A_104 : vector<1x1024xf32> to vector<20x1024xf32>
    %mul3A_106 = arith.mulf %get3A_103, %mul3A_105 : vector<20x1024xf32>
    %add3A_107 = arith.addf %add3A_98, %mul3A_106 : vector<20x1024xf32>
    %get3A_108 = arith.constant 12 : index
    %get3A_109 = arith.constant 0 : index
    %get3A_110 = arith.constant 0 : index
    %get3A_111 = vector.load %arg1[%get3A_108, %get3A_109, %get3A_110] : memref<16x20x1024xf32, #tpu.memory_space<vmem>>, vector<1x20x1024xf32>
    %get3A_112 = vector.shape_cast %get3A_111 : vector<1x20x1024xf32> to vector<20x1024xf32>
    %slice3A_113 = vector.extract_strided_slice %get3A_1 {offsets = [12, 0], sizes = [1, 1024], strides = [1, 1]} : vector<16x1024xf32> to vector<1x1024xf32>
    %mul3A_114 = vector.broadcast %slice3A_113 : vector<1x1024xf32> to vector<20x1024xf32>
    %mul3A_115 = arith.mulf %get3A_112, %mul3A_114 : vector<20x1024xf32>
    %add3A_116 = arith.addf %add3A_107, %mul3A_115 : vector<20x1024xf32>
    %get3A_117 = arith.constant 13 : index
    %get3A_118 = arith.constant 0 : index
    %get3A_119 = arith.constant 0 : index
    %get3A_120 = vector.load %arg1[%get3A_117, %get3A_118, %get3A_119] : memref<16x20x1024xf32, #tpu.memory_space<vmem>>, vector<1x20x1024xf32>
    %get3A_121 = vector.shape_cast %get3A_120 : vector<1x20x1024xf32> to vector<20x1024xf32>
    %slice3A_122 = vector.extract_strided_slice %get3A_1 {offsets = [13, 0], sizes = [1, 1024], strides = [1, 1]} : vector<16x1024xf32> to vector<1x1024xf32>
    %mul3A_123 = vector.broadcast %slice3A_122 : vector<1x1024xf32> to vector<20x1024xf32>
    %mul3A_124 = arith.mulf %get3A_121, %mul3A_123 : vector<20x1024xf32>
    %add3A_125 = arith.addf %add3A_116, %mul3A_124 : vector<20x1024xf32>
    %get3A_126 = arith.constant 14 : index
    %get3A_127 = arith.constant 0 : index
    %get3A_128 = arith.constant 0 : index
    %get3A_129 = vector.load %arg1[%get3A_126, %get3A_127, %get3A_128] : memref<16x20x1024xf32, #tpu.memory_space<vmem>>, vector<1x20x1024xf32>
    %get3A_130 = vector.shape_cast %get3A_129 : vector<1x20x1024xf32> to vector<20x1024xf32>
    %slice3A_131 = vector.extract_strided_slice %get3A_1 {offsets = [14, 0], sizes = [1, 1024], strides = [1, 1]} : vector<16x1024xf32> to vector<1x1024xf32>
    %mul3A_132 = vector.broadcast %slice3A_131 : vector<1x1024xf32> to vector<20x1024xf32>
    %mul3A_133 = arith.mulf %get3A_130, %mul3A_132 : vector<20x1024xf32>
    %add3A_134 = arith.addf %add3A_125, %mul3A_133 : vector<20x1024xf32>
    %get3A_135 = arith.constant 15 : index
    %get3A_136 = arith.constant 0 : index
    %get3A_137 = arith.constant 0 : index
    %get3A_138 = vector.load %arg1[%get3A_135, %get3A_136, %get3A_137] : memref<16x20x1024xf32, #tpu.memory_space<vmem>>, vector<1x20x1024xf32>
    %get3A_139 = vector.shape_cast %get3A_138 : vector<1x20x1024xf32> to vector<20x1024xf32>
    %slice3A_140 = vector.extract_strided_slice %get3A_1 {offsets = [15, 0], sizes = [1, 1024], strides = [1, 1]} : vector<16x1024xf32> to vector<1x1024xf32>
    %mul3A_141 = vector.broadcast %slice3A_140 : vector<1x1024xf32> to vector<20x1024xf32>
    %mul3A_142 = arith.mulf %get3A_139, %mul3A_141 : vector<20x1024xf32>
    %add3A_143 = arith.addf %add3A_134, %mul3A_142 : vector<20x1024xf32>
    %get3A_144 = arith.constant 0 : index
    %get3A_145 = arith.constant 0 : index
    %get3A_146 = vector.load %arg2[%get3A_144, %get3A_145] : memref<20x1024xi32, #tpu.memory_space<vmem>>, vector<20x1024xi32>
    %convert_element_type3A = arith.sitofp %get3A_146 : vector<20x1024xi32> to vector<20x1024xf32>
    %max3A = arith.constant 0.000000e+00 : f32
    %max3A_147 = vector.broadcast %max3A : f32 to vector<20x1024xf32>
    %max3A_148 = arith.maximumf %add3A_143, %max3A_147 : vector<20x1024xf32>
    %mul3A_149 = arith.mulf %add3A_143, %convert_element_type3A : vector<20x1024xf32>
    %sub3A = arith.subf %max3A_148, %mul3A_149 : vector<20x1024xf32>
    %abs3A = math.absf %add3A_143 : vector<20x1024xf32>
    %neg3A = arith.constant 0.000000e+00 : f32
    %neg3A_150 = vector.broadcast %neg3A : f32 to vector<20x1024xf32>
    %neg3A_151 = arith.subf %neg3A_150, %abs3A : vector<20x1024xf32>
    %exp3A = math.exp %neg3A_151 : vector<20x1024xf32>
    %log1p3A = math.log1p %exp3A : vector<20x1024xf32>
    %add3A_152 = arith.addf %sub3A, %log1p3A : vector<20x1024xf32>
    %reduce_sum3A = vector.shape_cast %add3A_152 : vector<20x1024xf32> to vector<1x20x1024xf32>
    %reduce_sum3A_153 = arith.constant dense<0.000000e+00> : vector<1xf32>
    %reduce_sum3A_154 = vector.multi_reduction <add>, %reduce_sum3A, %reduce_sum3A_153 [1, 2] : vector<1x20x1024xf32> to vector<1xf32>
    %reduce_sum3A_155 = vector.shape_cast %reduce_sum3A_154 : vector<1xf32> to vector<1x1x1xf32>
    %reduce_sum3A_156 = vector.extract %reduce_sum3A_155[0, 0, 0] : f32 from vector<1x1x1xf32>
    %mul3A_157 = arith.constant 4.88281257E-5 : f32
    %mul3A_158 = arith.mulf %reduce_sum3A_156, %mul3A_157 : f32
    %swap3A = arith.constant 0 : index
    %swap3A_159 = arith.constant 0 : index
    %swap3A_160 = memref.load %arg3[%swap3A, %swap3A_159] : memref<1x1xf32, #tpu.memory_space<smem>>
    memref.store %mul3A_158, %arg3[%swap3A, %swap3A_159] : memref<1x1xf32, #tpu.memory_space<smem>>
    return
  }
}

</mosaic_0001>

<sc_bundles>
// kernel: kernel.5.cloned.1.call-start
scs
__scs_entry_jumppad:
0x0: {  	(pc) =	sbr.rel $0x88, $3  }
0x1: {  	(tag) =	ssettag $0x0;
	lr =	simm.s32 $0x1  }
0x2: {  	[smem:$0x3F9C] =	sst lr;
	_ =	strace $0xD0000000  }
0x3: {  	_ = 	snop  }
0x4: {  	_ = 	snop  }
0x5: {  	_ = 	snop  }
0x6: {  	_ = 	snop  }
0x7: {  	_ = 	snop  }
__scs_overlays_trampoline_lowered:
0x8: {  	[smem:$0x3FAB] =	sst s0  }
0x9: {  	[smem:$0x3FAC] =	sst s1  }
0xa: {  	[smem:$0x3FAD] =	sst s2  }
0xb: {  	[smem:$0x3FAE] =	sst s3  }
0xc: {  	[smem:$0x3FAF] =	sst s4  }
0xd: {  	[smem:$0x3FB0] =	sst s5  }
0xe: {  	[smem:$0x3FB1] =	sst s6  }
0xf: {  	[smem:$0x3FB2] =	sst s7  }
0x10: {  	[smem:$0x3FB3] =	sst s8  }
0x11: {  	[smem:$0x3FB4] =	sst s9;
	s0 =	simm.s32 @!p0 $0x0  }
0x12: {  	s1 =	sld [smem:$0x3F9A];
	s0 =	simm.s32 @p0 $0x1  }
0x13: {  	[smem:$0x3FB5] =	sst s0;
	s0 =	simm.s32 @!p1 $0x0  }
0x14: {  	s2 =	sld [smem:$0x3F99];
	s0 =	simm.s32 @p1 $0x1  }
0x15: {  	[smem:$0x3FB6] =	sst s0;
	s0 =	simm.s32 @!p2 $0x0  }
0x16: {  	s3 =	sld [smem:$0x3FDB];
	s0 =	simm.s32 @p2 $0x1  }
0x17: {  	s4 =	simm.s32 $0x1BF5;
	[smem:$0x3FB8] =	sst s0  }
0x18: {  	s0 =	sld [smem:$0x3F9B];
	_ =	swait.ge [sflag:s4], $0x0  }
0x19: {  	s7 =	sld [smem:$0x3F9C]  }
0x1a: {  	s8 =	sadd.s32 $0xFFFFE003, lr  }
0x1b: {  	s9 =	sadd.s32 $0xFFFFFEF7, lr;
	s5 =	simm.s32 $0xFFFFFFFF;
	p2 =	slt.u32 s8, $0xFFFFF086  }
0x1c: {  	p1 =	slt.u32 s9, $0xF7A;
	s5 =	simm.s32 @!p2 $0x0  }
0x1d: {  	s5 =	simm.s32 @p1 $0x1;
	p0 =	seq.s32 s7, s2  }
0x1e: {  	s7 =	smul.u32 @!p0 $0xF7A, s2;
	p2 =	seq.s32 @!p0 s5, $0x0  }
0x1f: {  	s9 =	smul.u32 $0xF7A, s1;
	s8 =	simm.s32 @!p0 $0x1BF5;
	p2 =	por !p2, p0  }
0x20: {  	[sflag:s8] =	ssyncset.s32 @!p0 $0xFFFFF086;
	s6 =	sadd.s32 @!p0 s3, s7;
	s7 =	simm.s32 @!p0 $0x108  }
0x21: {  	s3 =	sadd.s32 s3, s9;
	s6 =	sadd.s32 @!p0 $0x88, s6;
	s7 =	simm.s32 @p2 $0x1082  }
0x22: {  	[simem:s7], [sflag:s8] =	dma.local @!p0 [hbm:s6], $0xF7A  }
0x23: {  	s9 =	sor.u32 $0xD0000000, s2;
	s6 =	simm.s32 $0x108;
	_ =	swait.ge @!p0 [sflag:s8], $0x0  }
0x24: {  	s3 =	sadd.s32 $0x88, s3;
	s6 =	simm.s32 @!p1 $0x1082;
	[sflag:s4] =	ssyncset.s32 $0xFFFFF086  }
0x25: {  	[simem:s6], [sflag:s4] =	dma.local [hbm:s3], $0xF7A  }
0x26: {  	[smem:$0x3F9C] =	sst s1;
	(tag) =	ssettag s2;
	_ =	strace s9  }
0x27: {  	s1 =	sld [smem:$0x3FAC]  }
0x28: {  	s2 =	sld [smem:$0x3FAD]  }
0x29: {  	s4 =	sld [smem:$0x3FAF]  }
0x2a: {  	p0 =	seq.s32 s5, $0x0;
	s5 =	sld [smem:$0x3FB0]  }
0x2b: {  	s6 =	sld [smem:$0x3FB1]  }
0x2c: {  	s7 =	sld [smem:$0x3FB2]  }
0x2d: {  	s3 =	simm.s32 $0x108;
	s8 =	sld [smem:$0x3FB3]  }
0x2e: {  	s3 =	simm.s32 @!p0 $0x1082;
	s9 =	sld [smem:$0x3FB4]  }
0x2f: {  	lr =	sadd.s32 s0, s3;
	s0 =	sld [smem:$0x3FAB]  }
0x30: {  	s3 =	sld [smem:$0x3FAE]  }
0x31: {  	[smem:$0x3FB7] =	sst s10  }
0x32: {  	s10 =	sld [smem:$0x3FB5];
	_ =	sdelay $0x3  }
0x33: {  	p0 =	seq.s32 s10, $0x1;
	s10 =	sld [smem:$0x3FB7];
	_ =	sdelay $0x3  }
0x34: {  	[smem:$0x3FB7] =	sst s10  }
0x35: {  	s10 =	sld [smem:$0x3FB6];
	_ =	sdelay $0x3  }
0x36: {  	p1 =	seq.s32 s10, $0x1;
	s10 =	sld [smem:$0x3FB7];
	_ =	sdelay $0x3  }
0x37: {  	[smem:$0x3FB7] =	sst s10  }
0x38: {  	s10 =	sld [smem:$0x3FB8]  }
0x39: {  	_ = 	snop;
	(pc) =	sbr.ind lr, $3  }
0x3a: {  	_ = 	snop  }
0x3b: {  	_ = 	snop  }
0x3c: {  	p2 =	seq.s32 s10, $0x1;
	s10 =	sld [smem:$0x3FB7]  }
0x3d: {  	_ =	shalt  }
0x3e: {  	_ =	shalt  }
0x3f: {  	_ =	shalt  }
0x40: {  	_ =	shalt  }
0x41: {  	_ =	shalt  }
0x42: {  	_ =	shalt  }
0x43: {  	_ =	shalt  }
0x44: {  	_ =	shalt  }
0x45: {  	_ =	shalt  }
0x46: {  	_ =	shalt  }
0x47: {  	_ =	shalt  }
0x48: {  	_ =	shalt  }
0x49: {  	_ =	shalt  }
0x4a: {  	_ =	shalt  }
0x4b: {  	_ =	shalt  }
0x4c: {  	_ =	shalt  }
0x4d: {  	_ =	shalt  }
0x4e: {  	_ =	shalt  }
0x4f: {  	_ =	shalt  }
0x50: {  	_ =	shalt  }
0x51: {  	_ =	shalt  }
0x52: {  	_ =	shalt  }
0x53: {  	_ =	shalt  }
0x54: {  	_ =	shalt  }
0x55: {  	_ =	shalt  }
0x56: {  	_ =	shalt  }
0x57: {  	_ =	shalt  }
0x58: {  	_ =	shalt  }
0x59: {  	_ =	shalt  }
0x5a: {  	_ =	shalt  }
0x5b: {  	_ =	shalt  }
0x5c: {  	_ =	shalt  }
0x5d: {  	_ =	shalt  }
0x5e: {  	_ =	shalt  }
0x5f: {  	_ =	shalt  }
0x60: {  	_ =	shalt  }
0x61: {  	_ =	shalt  }
0x62: {  	_ =	shalt  }
0x63: {  	_ =	shalt  }
0x64: {  	_ =	shalt  }
0x65: {  	_ =	shalt  }
0x66: {  	_ =	shalt  }
0x67: {  	_ =	shalt  }
0x68: {  	_ =	shalt  }
0x69: {  	_ =	shalt  }
0x6a: {  	_ =	shalt  }
0x6b: {  	_ =	shalt  }
0x6c: {  	_ =	shalt  }
0x6d: {  	_ =	shalt  }
0x6e: {  	_ =	shalt  }
0x6f: {  	_ =	shalt  }
0x70: {  	_ =	shalt  }
0x71: {  	_ =	shalt  }
0x72: {  	_ =	shalt  }
0x73: {  	_ =	shalt  }
0x74: {  	_ =	shalt  }
0x75: {  	_ =	shalt  }
0x76: {  	_ =	shalt  }
0x77: {  	_ =	shalt  }
0x78: {  	_ =	shalt  }
0x79: {  	_ =	shalt  }
0x7a: {  	_ =	shalt  }
0x7b: {  	_ =	shalt  }
0x7c: {  	_ =	shalt  }
0x7d: {  	_ =	shalt  }
0x7e: {  	_ =	shalt  }
0x7f: {  	_ =	shalt  }
0x80: {  	_ =	shalt  }
0x81: {  	_ =	shalt  }
0x82: {  	_ =	shalt  }
0x83: {  	_ =	shalt  }
0x84: {  	_ =	shalt  }
0x85: {  	_ =	shalt  }
0x86: {  	_ =	shalt  }
0x87: {  	_ =	shalt  }
.Lfunc_end0:
.L_simem_size_0:
called_computation_lowered:
.L_overlay_start_0:
0x88: {  	s2 =	sld [smem:$0x3FD9]  }
0x89: {  	s3 =	sld [smem:$0x3FFE];
	_ =	sdelay $0x1  }
0x8a: {  	s1 =	srdreg.scid  }
0x8b: {  	s0 =	sand.u32 $0x1, s1  }
0x8c: {  	s16 =	sshll.u32 s0, $0xA;
	s2 =	sadd.s32 s3, s2  }
0x8d: {  	s2 =	sadd.s32 s2, s16  }
0x8e: {  	[smem:$0x3FC3] =	sst s2  }
0x8f: {  	_ = 	snop  }
0x90: {  	(tm) =	ssettm $0x1  }
0x91: {  	s17 =	sld [smem:$0x3FFB];
	_ =	sdelay $0x3  }
0x92: {  	_ =	strace s17  }
0x93: {  	s2 =	sld [smem:$0x3FFC];
	_ =	sdelay $0x3  }
0x94: {  	_ =	strace s2  }
0x95: {  	s2 =	sld [smem:$0x3FFD];
	_ =	sdelay $0x3  }
0x96: {  	_ =	strace s2  }
0x97: {  	_ =	strace $0x8FFFFFFF  }
0x98: {  	s18 =	sld [smem:$0x3FDB];
	_ =	sdelay $0x1  }
0x99: {  	s19 =	simm.s32 $_scs_section_size  }
0x9a: {  	s4 =	simm.s32 $_size__tile_overlayer_lowered;
	s5 =	simm.s32 $_tile_overlayer_lowered  }
0x9b: {  	s22 =	simm.s32 $0x1BFF;
	s21 =	sshll.u32 s5, $0x1;
	s2 =	sadd.s32 s19, s18  }
0x9c: {  	s6 =	simm.s32 $0x0;
	s20 =	sshll.u32 s4, $0x1;
	s4 =	sadd.s32 s21, s2  }
0x9d: {  	[timem:s6], [sflag:s22] =	dma.local [hbm:s4], s20  }
0x9e: {  	_ =	swait.ge [sflag:s22], s20  }
0x9f: {  	s3 =	ssub.s32 $0x0, s20;
	[sflag:s22] =	ssyncset.done $0x0  }
0xa0: {  	[sflag:s22] =	ssyncadd.s32 s3;
	_ =	sdelay $0x1  }
0xa1: {  	s23 =	simm.s32 $0x1B8B  }
0xa2: {  	_ =	swait.ge [sflag:s23], $0x1  }
0xa3: {  	[sflag:s23] =	ssyncset.done $0x0  }
0xa4: {  	s25 =	simm.s32 $0x1B8E;
	s24 =	sld [smem:$0x3FFE];
	[sflag:s23] =	ssyncadd.s32 $0xFFFFFFFF  }
0xa5: {  	s26 =	simm.s32 $execute0_lowered;
	[smem:$0x3FD2] =	sst s25  }
0xa6: {  	s4 =	sshll.u32 s26, $0x1;
	_ =	strace $0x80000046;
	[dreg:$0x1] =	wrdreg $0xFFFFFFFF  }
0xa7: {  	s28 =	simm.s32 $_size_execute0_lowered;
	s2 =	sadd.s32 s2, s4;
	[dreg:$0x0] =	wrdreg $0x0  }
0xa8: {  	s4 =	sshll.u32 s28, $0x1;
	[dreg:$0x2] =	wrdreg s2  }
0xa9: {  	[dreg:$0x3] =	wrdreg s4  }
0xaa: {  	[dreg:$0x4] =	wrdreg $0xC0  }
0xab: {  	_ =	task [dreg:s6], $0x5FFFF  }
0xac: {  	[dreg:$0x1] =	wrdreg $0xFFFFFFFF  }
0xad: {  	[dreg:$0x0] =	wrdreg $0x60  }
0xae: {  	[dreg:$0x2] =	wrdreg s24  }
0xaf: {  	[dreg:$0x3] =	wrdreg $0x9  }
0xb0: {  	_ =	task.clear_ibuf [dreg:s6], $0x4FFFF;
	_ =	strace $0x90000046  }
0xb1: {  	s29 =	simm.s32 $0x9;
	_ =	strace $0x80000048  }
0xb2: {  	_ =	swait.ge [sflag:s29], $0x1  }
0xb3: {  	[sflag:s29] =	ssyncadd.s32 $0xFFFFFFFF  }
0xb4: {  	_ =	strace $0x90000048  }
0xb5: {  	_ =	sfence  }
0xb6: {  	s30 =	sld [smem:$0x0];
	_ =	sdelay $0x2  }
0xb7: {  	s31 =	sshll.u32 s1, $0xD;
	s1 =	sshrl.u32 s1, $0x2  }
0xb8: {  	s3 =	sand.u32 $0x4000, s31;
	s1 =	sadd.s32 s1, s30  }
0xb9: {  	s0 =	sor.u32 s3, s0;
	s1 =	sshll.u32 s1, $0x11  }
0xba: {  	s0 =	sor.u32 s1, s0  }
0xbb: {  	s0 =	sadd.s32 $0x8F2B, s0  }
0xbc: {  	[sflag:s0] =	ssyncadd.remote.s32 $0x1  }
0xbd: {  	_ =	sfence.sel $0xFFFF  }
0xbe: {  	[dreg:$0x0] =	wrdreg $0xFFFFFFFF;
	(pc) =	sbr.abs _section_cstart, $3  }
0xbf: {  	[dreg:$0x1] =	wrdreg $0xFFFFFFFF  }
0xc0: {  	_ =	task.clear_ibuf [dreg:s6], $0x2FFFF;
	_ =	strace $0x9FFFFFFF  }
0xc1: {  	(tm) =	ssettm $0x7FFFFFFF  }
tec
execute0_lowered:
.L_overlay_start_1:
0x0: {  	(tag) =	ssettag $0x1  }
0x1: {  	s1 =	srdreg.scid;
	s0 =	stileid.u32  }
0x2: {  	s6 =	sand.u32 $0x1, s1;
	s31 =	sshll.u32 s0, $0x1  }
0x3: {  	s1 =	sor.u32 s6, s31  }
0x4: {  	s5 =	rddreg [dreg:$0x0];
	s2 =	simm.s32 $0x0;
	s3 =	smul.u32 $0x500, s1  }
0x5: {  	[smem:$0x7FF] =	sst s2  }
0x6: {  	s9 =	ssub.s32 $0x2, s6;
	s1 =	rddreg [dreg:$0x1];
	s8 =	sadd.s32 s3, s5  }
0x7: {  	_ =	strace $0x80000047;
	s3 =	simm.s32 $0x2;
	s4 =	sadd.s32 $0x31800, s8  }
0x8: {  	[tilespmem:s2], [sflag:$0x2] =	stream.linear.gather [hbm4b:s4+s2], $0x2800, $0x38;
	[tilespmem:$0x5000] =	vst v63  }
0x9: {  	s7 =	simm.s32 $0x1;
	s10 =	sshrl.u32 s9, $0x1;
	_ =	swait.ge [sflag:s3], $0x2800  }
0xa: {  	s6 =	simm.s32 $0x2800;
	s9 =	ssub.s32 s9, s10;
	[sflag:s3] =	ssyncset.done $0x0  }
0xb: {  	s5 =	sadd.s32 $0xA00, s5;
	s9 =	smax.u32 s9, $0x1;
	[sflag:s3] =	ssyncadd.s32 $0xFFFFD800  }
0xc: {  	[tilespmem:s6], [sflag:$0x1] =	stream.indirect.gather [hbm4b:s5+s6], $0x1, s2, s6, $0xb8;
	[tilespmem:$0x5000] =	vst v63  }
0xd: {  	p0 =	sne.s32 s9, $0x1;
	_ =	swait.ge [sflag:s7], $0x2800  }
.Ltmp0:
0xe: {  	[sflag:s7] =	ssyncset.done $0x0;
	(pc) =	sbr.rel @!p0 .LBB2_2-.Ltmp0, $4  }
0xf: {  	s8 =	sadd.s32 $0x3B800, s8;
	[sflag:s7] =	ssyncadd.s32 $0xFFFFD800  }
0x10: {  	[hbm4b:s8+s2] =	stream.linear.scatter [tilespmem:s6], [sflag:$0x2], $0x2800, $0x38;
	[tilespmem:$0x5000] =	vst v63  }
0x11: {  	_ =	swait.ge [sflag:s3], $0x2800  }
0x12: {  	s9 =	sadd.s32 $0xFFFFFFFF, s9;
	[sflag:s3] =	ssyncset.done $0x0  }
.LBB2_1:
0x13: {  	p0 =	sne.s32 s9, $0x1;
	s9 =	sadd.s32 $0xFFFFFFFF, s9;
	[sflag:s3] =	ssyncadd.s32 $0xFFFFD800  }
0x14: {  	[tilespmem:s2], [sflag:$0x2] =	stream.linear.gather [hbm4b:s4+s2], $0x2800, $0x38;
	[tilespmem:$0x5000] =	vst v63  }
0x15: {  	_ =	swait.ge [sflag:s3], $0x2800  }
0x16: {  	[sflag:s3] =	ssyncset.done $0x0  }
0x17: {  	[sflag:s3] =	ssyncadd.s32 $0xFFFFD800  }
0x18: {  	[tilespmem:s6], [sflag:$0x1] =	stream.indirect.gather [hbm4b:s5+s6], $0x1, s2, s6, $0xb8;
	[tilespmem:$0x5000] =	vst v63  }
0x19: {  	_ =	swait.ge [sflag:s7], $0x2800  }
.Ltmp1:
0x1a: {  	[sflag:s7] =	ssyncset.done $0x0;
	(pc) =	sbr.rel @p0 .LBB2_1-.Ltmp1, $4  }
0x1b: {  	[sflag:s7] =	ssyncadd.s32 $0xFFFFD800  }
0x1c: {  	[hbm4b:s8+s2] =	stream.linear.scatter [tilespmem:s6], [sflag:$0x2], $0x2800, $0x38;
	[tilespmem:$0x5000] =	vst v63  }
0x1d: {  	_ =	swait.ge [sflag:s3], $0x2800  }
0x1e: {  	[sflag:s3] =	ssyncset.done $0x0  }
.LBB2_2:
0x1f: {  	[sflag:s3] =	ssyncadd.s32 $0xFFFFD800  }
0x20: {  	_ =	sfence.sel $0x180000  }
0x21: {  	[bflag:$0x0] =	sbarrier.arrive $0xFFFF  }
0x22: {  	p0 =	sne.s32 s0, $0x0;
	_ =	strace $0x90000047  }
0x23: {  	s0 =	sadd.s32 @!p0 $0x100000, s1;
	[bflag:$0x2] =	sbarrier.arrive $0xFFFF  }
0x24: {  	[sflag:s0] =	ssyncadd.tile.s32 @!p0 $0x1;
	_ =	shalt  }
.Lfunc_end2:
_tile_overlayer_lowered:
.L_overlay_start_2:
0x25: {  	(tag) =	ssettag $0x2  }
0x26: {  	s0 =	rddreg [dreg:$0x0];
	s2 =	stileid.u32  }
0x27: {  	s1 =	rddreg [dreg:$0x1];
	p0 =	sne.s32 s2, $0x0  }
0x28: {  	s3 =	rddreg [dreg:$0x2];
	[bflag:$0x3] =	sbarrier.arrive $0xFFFF;
	s2 =	simm.s32 @!p0 $0x1C02  }
0x29: {  	[timem:s3], [sflag:s2] =	dma.local @!p0 [hbm:s0], s1  }
0x2a: {  	s0 =	simm.s32 @!p0 $0x2  }
0x2b: {  	_ =	swait.ge @!p0 [sflag:s0], s1  }
0x2c: {  	s1 =	ssub.s32 @!p0 $0x0, s1;
	[sflag:s0] =	ssyncset.done @!p0 $0x0  }
0x2d: {  	[sflag:s0] =	ssyncadd.s32 @!p0 s1  }
0x2e: {  	[bflag:$0x3] =	sbarrier.arrive $0xFFFF  }
0x2f: {  	_ =	shalt  }

</sc_bundles>
